<compile_context>
chip_gen: v7x
topology: tpu7x:2x2x1
jax: 0.10.2.dev20260603
libtpu: 0.0.44.dev20260713+nightly
codegen_flags: <defaults>
</compile_context>

<pallas_src>
import functools

import jax
import jax.numpy as jnp
from jax import lax
from jax.experimental import pallas as pl
from jax.experimental.pallas import tpu as pltpu
from jax.experimental.pallas import tpu_sc as plsc

ALEN = 40
BATCH = 4096
EMB = 128
NCAT = 64
AUGW = EMB + NCAT + 3
RB = 512
NBLK = BATCH // RB
_BIGI = 1 << 30
_ALPHA = float(2.0 ** 25)


def _fused_body(ctx_ref, w_ref, catc_ref, eact_ref, eap_ref, idx_ref,
                e_sc, aug_sc, aug2_sc):
    i = pl.program_id(0)

    @pl.when(i == 0)
    def _init():
        e = lax.dot_general(ctx_ref[:, :ALEN], w_ref[...],
                            (((1,), (0,)), ((), ())),
                            preferred_element_type=jnp.float32)
        e_sc[...] = e
        lane = lax.broadcasted_iota(jnp.int32, (BATCH, NCAT), 1)
        oh = jnp.where(catc_ref[...] == lane, _ALPHA, 0.0)
        sq = jnp.sum(e * e, axis=1, keepdims=True)
        s1 = sq.astype(jnp.bfloat16).astype(jnp.float32)
        r1 = sq - s1
        s2 = r1.astype(jnp.bfloat16).astype(jnp.float32)
        s3 = r1 - s2
        one = jnp.ones((BATCH, 1), jnp.float32)
        aug_sc[...] = jnp.concatenate(
            [e, oh, s1, s2, s3], axis=1).astype(jnp.bfloat16)
        aug2_sc[...] = jnp.concatenate(
            [-2.0 * e, oh, one, one, one], axis=1).astype(jnp.bfloat16)

    cols = pl.ds(i * RB, RB)
    eact_ref[...] = e_sc[cols, :]
    eap_ref[...] = lax.dot_general(ctx_ref[cols, ALEN:], w_ref[...],
                                   (((1,), (0,)), ((), ())),
                                   preferred_element_type=jnp.float32)

    t = lax.dot_general(aug_sc[...], aug2_sc[cols, :],
                        (((1,), (1,)), ((), ())),
                        preferred_element_type=jnp.float32)
    m = jnp.min(t, axis=0, keepdims=True)
    row = lax.broadcasted_iota(jnp.int32, (BATCH, RB), 0)
    idx = jnp.min(jnp.where(t == m, row, _BIGI), axis=0, keepdims=True)
    idx_ref[...] = idx.reshape(RB)


_fused = pl.pallas_call(
    _fused_body,
    grid=(NBLK,),
    in_specs=[
        pl.BlockSpec((BATCH, 2 * ALEN), lambda i: (0, 0)),
        pl.BlockSpec((ALEN, EMB), lambda i: (0, 0)),
        pl.BlockSpec((BATCH, 1), lambda i: (0, 0)),
    ],
    out_specs=[
        pl.BlockSpec((RB, EMB), lambda i: (i, 0)),
        pl.BlockSpec((RB, EMB), lambda i: (i, 0)),
        pl.BlockSpec((RB,), lambda i: (i,)),
    ],
    out_shape=[
        jax.ShapeDtypeStruct((BATCH, EMB), jnp.float32),
        jax.ShapeDtypeStruct((BATCH, EMB), jnp.float32),
        jax.ShapeDtypeStruct((BATCH,), jnp.int32),
    ],
    scratch_shapes=[
        pltpu.VMEM((BATCH, EMB), jnp.float32),
        pltpu.VMEM((BATCH, AUGW), jnp.bfloat16),
        pltpu.VMEM((BATCH, AUGW), jnp.bfloat16),
    ],
)


def _sc_gather(table, idx):
    info = plsc.get_sparse_core_info()
    nw = info.num_cores * info.num_subcores
    bpw = BATCH // nw
    mesh = plsc.VectorSubcoreMesh(core_axis_name="c", subcore_axis_name="s")

    @functools.partial(
        pl.kernel, mesh=mesh,
        out_type=jax.ShapeDtypeStruct((BATCH, EMB), jnp.float32),
        scratch_types=[
            pltpu.VMEM((bpw,), jnp.int32),
            pltpu.VMEM((bpw, EMB), jnp.float32),
            pltpu.SemaphoreType.DMA,
        ],
    )
    def gather(table_hbm, idx_hbm, out_hbm, idx_v, rows_v, sem):
        wid = lax.axis_index("s") * info.num_cores + lax.axis_index("c")
        base = wid * bpw
        pltpu.sync_copy(idx_hbm.at[pl.ds(base, bpw)], idx_v)
        pltpu.async_copy(table_hbm.at[idx_v], rows_v, sem).wait()
        pltpu.sync_copy(rows_v, out_hbm.at[pl.ds(base, bpw)])

    return gather(table, idx)


def kernel(context, device_category, start_time, end_time, host, W):
    cat = device_category.astype(jnp.int32)
    e_actv, e_ap, idx1d = _fused(context, W, cat[:, None])
    e_an = _sc_gather(e_actv, idx1d)
    return (e_actv, e_ap, e_an)

# --- scband reference (transcript-rebuilt; emitter-appended) ---
"""Pipeline reference for scband-anchor-ts2-vec-20486994002262 (READ-ONLY COPY).

The authoritative reference and input builder live on the scoring server;
editing this copy changes nothing except your own understanding.
"""

import jax, jax.numpy as jnp
import numpy as np

ACTIVITY_LEN = 40
MAXSIZE = float(9223372036854775807)


def setup_inputs(seed: int = 0) -> dict:
    key = jax.random.key(seed)
    k1, k2, k3, k4, k5, k6 = jax.random.split(key, 6)
    B = 4096
    context = jax.random.normal(k1, (B, 2 * ACTIVITY_LEN), dtype=jnp.float32)
    device_category = jax.random.randint(k2, (B,), 0, 64, dtype=jnp.int64)
    start_time = jax.random.randint(k3, (B,), 0, 100000, dtype=jnp.int64)
    end_time = jax.random.randint(k4, (B,), 0, 100000, dtype=jnp.int64)
    host = jax.random.randint(k5, (B,), 0, 1000, dtype=jnp.int64)
    # learned parameter of the concrete toembedding (linear projection 40 -> 128)
    W = jax.random.normal(k6, (ACTIVITY_LEN, 128), dtype=jnp.float32) * 0.05
    return {"context": context, "device_category": device_category,
            "start_time": start_time, "end_time": end_time, "host": host, "W": W}


def _toembedding(x, W):
    return x @ W


def _pairwise_dist(e):
    # matches torch.pdist expanded to a full symmetric matrix
    sq = jnp.sum(e * e, axis=1)
    d2 = sq[:, None] + sq[None, :] - 2.0 * (e @ e.T)
    d2 = jnp.maximum(d2, 0.0)
    return jnp.sqrt(d2)


def reference(context, device_category, start_time, end_time, host, W):
    actv = context[:, :ACTIVITY_LEN]
    e_actv = _toembedding(actv, W)
    # no_grad block in torch
    ap = context[:, ACTIVITY_LEN:]
    e_ap = _toembedding(ap, W)
    # find_neg_anchors: full pairwise distance matrix, diagonal set to maxsize,
    # then fast_filter masks entries whose discriminator (device_category) matches
    fmatrix = _pairwise_dist(e_actv)
    same_discr = device_category[:, None] == device_category[None, :]
    # diagonal is same-category with itself, so the eye-maxsize add is subsumed
    fmatrix = jnp.where(same_discr, MAXSIZE, fmatrix)
    idxs = jnp.argmin(fmatrix, axis=1)
    e_an = e_actv[idxs]
    return (e_actv, e_ap, e_an)

if __name__ == "__main__":
    import jax
    _d = setup_inputs()
    print(jax.jit(kernel)(*tuple(_d.values())))

</pallas_src>

<mosaic_0001>
#map = affine_map<(d0, d1) -> (0, 0)>
#map1 = affine_map<(d0, d1) -> (0)>
module attributes {stable_mosaic.version = 14 : i64} {
  func.func @gather(%arg0: i32, %arg1: i32, %arg2: memref<4096x128xf32, #tpu.memory_space<hbm>>, %arg3: memref<4096xi32, #tpu.memory_space<hbm>>, %arg4: memref<4096x128xf32, #tpu.memory_space<hbm>>, %arg5: memref<128xi32, #tpu.memory_space<vmem>>, %arg6: memref<128x128xf32, #tpu.memory_space<vmem>>, %arg7: memref<!tpu.dma_semaphore, #tpu.memory_space<semaphore_mem>>) attributes {dimension_semantics = [#tpu.dimension_semantics<core_parallel>, #tpu.dimension_semantics<subcore_parallel>], iteration_bounds = array<i64: 2, 16>, scalar_prefetch = 0 : i64, scratch_operands = 3 : i64, tpu.core_type = #tpu.core_type<sc_vector_subcore>, window_params = [{transform_indices = #map}, {transform_indices = #map1}, {transform_indices = #map}]} {
    %mul3A = arith.constant 2 : i32
    %mul3A_0 = arith.muli %arg1, %mul3A : i32
    %add3A = arith.addi %mul3A_0, %arg0 : i32
    %mul3A_1 = arith.constant 128 : i32
    %mul3A_2 = arith.muli %add3A, %mul3A_1 : i32
    "tpu.region"() ({
      %run_scoped3A = tpu.sem_alloc : memref<!tpu.dma_semaphore, #tpu.memory_space<semaphore_mem>>
      %dma_start3A_7 = tpu.memref_slice %arg3[%mul3A_2] : memref<4096xi32, #tpu.memory_space<hbm>> -> memref<128xi32, #tpu.memory_space<hbm>>
      %dma_start3A_8 = tpu.memref_slice %arg3[%mul3A_2] : memref<4096xi32, #tpu.memory_space<hbm>> -> memref<128xi32, #tpu.memory_space<hbm>>
      tpu.enqueue_dma source(%dma_start3A_8 : memref<128xi32, #tpu.memory_space<hbm>>) target(%arg5 : memref<128xi32, #tpu.memory_space<vmem>>) target_semaphore(%run_scoped3A : memref<!tpu.dma_semaphore, #tpu.memory_space<semaphore_mem>>)
      %dma_wait3A_9 = tpu.memref_slice %arg3[%mul3A_2] : memref<4096xi32, #tpu.memory_space<hbm>> -> memref<128xi32, #tpu.memory_space<hbm>>
      %dma_wait3A_10 = tpu.memref_slice %arg3[%mul3A_2] : memref<4096xi32, #tpu.memory_space<hbm>> -> memref<128xi32, #tpu.memory_space<hbm>>
      tpu.wait_dma2 semaphore(%run_scoped3A : memref<!tpu.dma_semaphore, #tpu.memory_space<semaphore_mem>>) src(%dma_wait3A_10 : memref<128xi32, #tpu.memory_space<hbm>>) dst(%arg5 : memref<128xi32, #tpu.memory_space<vmem>>)
      tpu.yield
    }) : () -> ()
    %dma_start3A = arith.constant 0 : i32
    %dma_start3A_3 = arith.constant 0 : i32
    %dma_start3A_4 = tpu.memref_slice %arg2[%dma_start3A, %dma_start3A_3] : memref<4096x128xf32, #tpu.memory_space<hbm>> -> memref<4096x128xf32, #tpu.memory_space<hbm>>
    tpu.enqueue_indirect_dma source(%dma_start3A_4 : memref<4096x128xf32, #tpu.memory_space<hbm>>) target(%arg6 : memref<128x128xf32, #tpu.memory_space<vmem>>) offsets(%arg5 : memref<128xi32, #tpu.memory_space<vmem>>) semaphore(%arg7 : memref<!tpu.dma_semaphore, #tpu.memory_space<semaphore_mem>>)
    %dma_wait3A = arith.constant 0 : i32
    %dma_wait3A_5 = arith.constant 0 : i32
    %dma_wait3A_6 = tpu.memref_slice %arg2[%dma_wait3A, %dma_wait3A_5] : memref<4096x128xf32, #tpu.memory_space<hbm>> -> memref<4096x128xf32, #tpu.memory_space<hbm>>
    tpu.wait_indirect_dma semaphore(%arg7 : memref<!tpu.dma_semaphore, #tpu.memory_space<semaphore_mem>>) src(%dma_wait3A_6 : memref<4096x128xf32, #tpu.memory_space<hbm>>) dst(%arg6 : memref<128x128xf32, #tpu.memory_space<vmem>>)
    "tpu.region"() ({
      %run_scoped3A = tpu.sem_alloc : memref<!tpu.dma_semaphore, #tpu.memory_space<semaphore_mem>>
      %dma_start3A_7 = arith.constant 0 : i32
      %dma_start3A_8 = tpu.memref_slice %arg4[%mul3A_2, %dma_start3A_7] : memref<4096x128xf32, #tpu.memory_space<hbm>> -> memref<128x128xf32, #tpu.memory_space<hbm>>
      %dma_start3A_9 = arith.constant 0 : i32
      %dma_start3A_10 = tpu.memref_slice %arg4[%mul3A_2, %dma_start3A_9] : memref<4096x128xf32, #tpu.memory_space<hbm>> -> memref<128x128xf32, #tpu.memory_space<hbm>>
      tpu.enqueue_dma source(%arg6 : memref<128x128xf32, #tpu.memory_space<vmem>>) target(%dma_start3A_10 : memref<128x128xf32, #tpu.memory_space<hbm>>) target_semaphore(%run_scoped3A : memref<!tpu.dma_semaphore, #tpu.memory_space<semaphore_mem>>)
      %dma_wait3A_11 = arith.constant 0 : i32
      %dma_wait3A_12 = tpu.memref_slice %arg4[%mul3A_2, %dma_wait3A_11] : memref<4096x128xf32, #tpu.memory_space<hbm>> -> memref<128x128xf32, #tpu.memory_space<hbm>>
      %dma_wait3A_13 = arith.constant 0 : i32
      %dma_wait3A_14 = tpu.memref_slice %arg4[%mul3A_2, %dma_wait3A_13] : memref<4096x128xf32, #tpu.memory_space<hbm>> -> memref<128x128xf32, #tpu.memory_space<hbm>>
      tpu.wait_dma2 semaphore(%run_scoped3A : memref<!tpu.dma_semaphore, #tpu.memory_space<semaphore_mem>>) src(%arg6 : memref<128x128xf32, #tpu.memory_space<vmem>>) dst(%dma_wait3A_14 : memref<128x128xf32, #tpu.memory_space<hbm>>)
      tpu.yield
    }) : () -> ()
    return
  }
}

module attributes {stable_mosaic.version = 14 : i64} {
  func.func @_fused_body(%arg0: i32, %arg1: memref<4096x80xf32, #tpu.memory_space<vmem>>, %arg2: memref<40x128xf32, #tpu.memory_space<vmem>>, %arg3: memref<4096x1xi32, #tpu.memory_space<vmem>>, %arg4: memref<512x128xf32, #tpu.memory_space<vmem>>, %arg5: memref<512x128xf32, #tpu.memory_space<vmem>>, %arg6: memref<512xi32, #tpu.memory_space<vmem>>, %arg7: memref<4096x128xf32, #tpu.memory_space<vmem>>, %arg8: memref<4096x195xbf16, #tpu.memory_space<vmem>>, %arg9: memref<4096x195xbf16, #tpu.memory_space<vmem>>) attributes {dimension_semantics = [#tpu.dimension_semantics<arbitrary>], iteration_bounds = array<i64: 8>, scalar_prefetch = 0 : i64, scratch_operands = 3 : i64, tpu.core_type = #tpu.core_type<tc>, window_params = [{pipeline_mode = #tpu.pipeline_mode<synchronous>, transform_indices = @transform_0, window_bounds = array<i64: 4096, 80>}, {pipeline_mode = #tpu.pipeline_mode<synchronous>, transform_indices = @transform_1, window_bounds = array<i64: 40, 128>}, {pipeline_mode = #tpu.pipeline_mode<synchronous>, transform_indices = @transform_2, window_bounds = array<i64: 4096, 1>}, {transform_indices = @transform_3, window_bounds = array<i64: 512, 128>}, {transform_indices = @transform_4, window_bounds = array<i64: 512, 128>}, {transform_indices = @transform_5, window_bounds = array<i64: 512>}]} {
    %eq3A = arith.constant 0 : i32
    %eq3A_0 = arith.cmpi eq, %arg0, %eq3A : i32
    %convert_element_type3A = arith.extui %eq3A_0 : i1 to i32
    %cond3A = arith.constant 0 : i32
    %cond3A_1 = arith.cmpi ne, %convert_element_type3A, %cond3A : i32
    scf.if %cond3A_1 {
      %get3A_34 = arith.constant 0 : index
      %get3A_35 = arith.constant 0 : index
      %get3A_36 = vector.load %arg1[%get3A_34, %get3A_35] : memref<4096x80xf32, #tpu.memory_space<vmem>>, vector<4096x40xf32>
      %get3A_37 = arith.constant 0 : index
      %get3A_38 = arith.constant 0 : index
      %get3A_39 = vector.load %arg2[%get3A_37, %get3A_38] : memref<40x128xf32, #tpu.memory_space<vmem>>, vector<40x128xf32>
      %dot_general3A_40 = arith.constant dense<0.000000e+00> : vector<4096x128xf32>
      %dot_general3A_41 = tpu.matmul %get3A_36, %get3A_39, %dot_general3A_40 {dimension_numbers = #tpu.dot_dimension_numbers<[1], [0], [0], [1], [0, 0, 1, 1], [], []>, transpose_lhs_hint = false} : vector<4096x40xf32>, vector<40x128xf32>, vector<4096x128xf32> -> vector<4096x128xf32>
      %swap3A_42 = arith.constant 0 : index
      %swap3A_43 = arith.constant 0 : index
      %swap3A_44 = vector.load %arg7[%swap3A_42, %swap3A_43] : memref<4096x128xf32, #tpu.memory_space<vmem>>, vector<4096x128xf32>
      tpu.vector_store %arg7[%swap3A_42, %swap3A_43], %dot_general3A_41 {strides = array<i32>} : memref<4096x128xf32, #tpu.memory_space<vmem>>, vector<4096x128xf32>,
      %iota3A_45 = tpu.iota {dimensions = array<i32: 1>} : vector<4096x64xi32>
      %get3A_46 = arith.constant 0 : index
      %get3A_47 = arith.constant 0 : index
      %get3A_48 = vector.load %arg3[%get3A_46, %get3A_47] : memref<4096x1xi32, #tpu.memory_space<vmem>>, vector<4096x1xi32>
      %eq3A_49 = vector.broadcast %get3A_48 : vector<4096x1xi32> to vector<4096x64xi32>
      %eq3A_50 = arith.cmpi eq, %eq3A_49, %iota3A_45 : vector<4096x64xi32>
      %jit3A_51 = arith.constant 0x4C000000 : f32
      %jit3A_52 = arith.constant 0.000000e+00 : f32
      %broadcast_in_dim3A_53 = vector.broadcast %jit3A_51 : f32 to vector<4096x64xf32>
      %broadcast_in_dim3A_54 = vector.broadcast %jit3A_52 : f32 to vector<4096x64xf32>
      %select_n3A_55 = arith.select %eq3A_50, %broadcast_in_dim3A_53, %broadcast_in_dim3A_54 : vector<4096x64xi1>, vector<4096x64xf32>
      %mul3A_56 = arith.mulf %dot_general3A_41, %dot_general3A_41 : vector<4096x128xf32>
      %reduce_sum3A = arith.constant dense<0.000000e+00> : vector<4096xf32>
      %reduce_sum3A_57 = vector.multi_reduction <add>, %mul3A_56, %reduce_sum3A [1] : vector<4096x128xf32> to vector<4096xf32>
      %broadcast_in_dim3A_58 = vector.shape_cast %reduce_sum3A_57 : vector<4096xf32> to vector<4096x1xf32>
      %convert_element_type3A_59 = arith.truncf %broadcast_in_dim3A_58 : vector<4096x1xf32> to vector<4096x1xbf16>
      %convert_element_type3A_60 = arith.extf %convert_element_type3A_59 : vector<4096x1xbf16> to vector<4096x1xf32>
      %sub3A = arith.subf %broadcast_in_dim3A_58, %convert_element_type3A_60 : vector<4096x1xf32>
      %convert_element_type3A_61 = arith.truncf %sub3A : vector<4096x1xf32> to vector<4096x1xbf16>
      %convert_element_type3A_62 = arith.extf %convert_element_type3A_61 : vector<4096x1xbf16> to vector<4096x1xf32>
      %sub3A_63 = arith.subf %sub3A, %convert_element_type3A_62 : vector<4096x1xf32>
      %broadcast_in_dim3A_64 = arith.constant 1.000000e+00 : f32
      %broadcast_in_dim3A_65 = vector.broadcast %broadcast_in_dim3A_64 : f32 to vector<4096x1xf32>
      %concatenate3A = tpu.concatenate %dot_general3A_41, %select_n3A_55, %convert_element_type3A_60, %convert_element_type3A_62, %sub3A_63 in 1 : vector<4096x128xf32>, vector<4096x64xf32>, vector<4096x1xf32>, vector<4096x1xf32>, vector<4096x1xf32> -> vector<4096x195xf32>
      %convert_element_type3A_66 = arith.truncf %concatenate3A : vector<4096x195xf32> to vector<4096x195xbf16>
      %swap3A_67 = arith.constant 0 : index
      %swap3A_68 = arith.constant 0 : index
      %swap3A_69 = vector.load %arg8[%swap3A_67, %swap3A_68] : memref<4096x195xbf16, #tpu.memory_space<vmem>>, vector<4096x195xbf16>
      tpu.vector_store %arg8[%swap3A_67, %swap3A_68], %convert_element_type3A_66 {strides = array<i32>} : memref<4096x195xbf16, #tpu.memory_space<vmem>>, vector<4096x195xbf16>,
      %mul3A_70 = arith.constant -2.000000e+00 : f32
      %mul3A_71 = vector.broadcast %mul3A_70 : f32 to vector<4096x128xf32>
      %mul3A_72 = arith.mulf %mul3A_71, %dot_general3A_41 : vector<4096x128xf32>
      %concatenate3A_73 = tpu.concatenate %mul3A_72, %select_n3A_55, %broadcast_in_dim3A_65, %broadcast_in_dim3A_65, %broadcast_in_dim3A_65 in 1 : vector<4096x128xf32>, vector<4096x64xf32>, vector<4096x1xf32>, vector<4096x1xf32>, vector<4096x1xf32> -> vector<4096x195xf32>
      %convert_element_type3A_74 = arith.truncf %concatenate3A_73 : vector<4096x195xf32> to vector<4096x195xbf16>
      %swap3A_75 = arith.constant 0 : index
      %swap3A_76 = arith.constant 0 : index
      %swap3A_77 = vector.load %arg9[%swap3A_75, %swap3A_76] : memref<4096x195xbf16, #tpu.memory_space<vmem>>, vector<4096x195xbf16>
      tpu.vector_store %arg9[%swap3A_75, %swap3A_76], %convert_element_type3A_74 {strides = array<i32>} : memref<4096x195xbf16, #tpu.memory_space<vmem>>, vector<4096x195xbf16>,
    } else {
    }
    %mul3A = arith.constant 512 : i32
    %mul3A_2 = arith.muli %arg0, %mul3A : i32
    %get3A = arith.index_cast %mul3A_2 : i32 to index
    %get3A_3 = arith.constant 0 : index
    %get3A_4 = vector.load %arg7[%get3A, %get3A_3] : memref<4096x128xf32, #tpu.memory_space<vmem>>, vector<512x128xf32>
    %swap3A = arith.constant 0 : index
    %swap3A_5 = arith.constant 0 : index
    %swap3A_6 = vector.load %arg4[%swap3A, %swap3A_5] : memref<512x128xf32, #tpu.memory_space<vmem>>, vector<512x128xf32>
    tpu.vector_store %arg4[%swap3A, %swap3A_5], %get3A_4 {strides = array<i32>} : memref<512x128xf32, #tpu.memory_space<vmem>>, vector<512x128xf32>,
    %get3A_7 = arith.index_cast %mul3A_2 : i32 to index
    %get3A_8 = arith.constant 40 : index
    %get3A_9 = vector.load %arg1[%get3A_7, %get3A_8] : memref<4096x80xf32, #tpu.memory_space<vmem>>, vector<512x40xf32>
    %get3A_10 = arith.constant 0 : index
    %get3A_11 = arith.constant 0 : index
    %get3A_12 = vector.load %arg2[%get3A_10, %get3A_11] : memref<40x128xf32, #tpu.memory_space<vmem>>, vector<40x128xf32>
    %dot_general3A = arith.constant dense<0.000000e+00> : vector<512x128xf32>
    %dot_general3A_13 = tpu.matmul %get3A_9, %get3A_12, %dot_general3A {dimension_numbers = #tpu.dot_dimension_numbers<[1], [0], [0], [1], [0, 0, 1, 1], [], []>, transpose_lhs_hint = false} : vector<512x40xf32>, vector<40x128xf32>, vector<512x128xf32> -> vector<512x128xf32>
    %swap3A_14 = arith.constant 0 : index
    %swap3A_15 = arith.constant 0 : index
    %swap3A_16 = vector.load %arg5[%swap3A_14, %swap3A_15] : memref<512x128xf32, #tpu.memory_space<vmem>>, vector<512x128xf32>
    tpu.vector_store %arg5[%swap3A_14, %swap3A_15], %dot_general3A_13 {strides = array<i32>} : memref<512x128xf32, #tpu.memory_space<vmem>>, vector<512x128xf32>,
    %get3A_17 = arith.constant 0 : index
    %get3A_18 = arith.constant 0 : index
    %get3A_19 = vector.load %arg8[%get3A_17, %get3A_18] : memref<4096x195xbf16, #tpu.memory_space<vmem>>, vector<4096x195xbf16>
    %get3A_20 = arith.index_cast %mul3A_2 : i32 to index
    %get3A_21 = arith.constant 0 : index
    %get3A_22 = vector.load %arg9[%get3A_20, %get3A_21] : memref<4096x195xbf16, #tpu.memory_space<vmem>>, vector<512x195xbf16>
    %dot_general3A_23 = arith.constant dense<0.000000e+00> : vector<4096x512xf32>
    %dot_general3A_24 = tpu.matmul %get3A_19, %get3A_22, %dot_general3A_23 {dimension_numbers = #tpu.dot_dimension_numbers<[1], [1], [0], [0], [0, 0, 1, 0], [], []>, transpose_lhs_hint = false} : vector<4096x195xbf16>, vector<512x195xbf16>, vector<4096x512xf32> -> vector<4096x512xf32>
    %reduce_min3A = arith.constant dense<0x7F800000> : vector<512xf32>
    %reduce_min3A_25 = vector.multi_reduction <minimumf>, %dot_general3A_24, %reduce_min3A [0] : vector<4096x512xf32> to vector<512xf32>
    %broadcast_in_dim3A = vector.shape_cast %reduce_min3A_25 : vector<512xf32> to vector<1x512xf32>
    %iota3A = tpu.iota {dimensions = array<i32: 0>} : vector<4096x512xi32>
    %eq3A_26 = vector.broadcast %broadcast_in_dim3A : vector<1x512xf32> to vector<4096x512xf32>
    %eq3A_27 = arith.cmpf oeq, %dot_general3A_24, %eq3A_26 : vector<4096x512xf32>
    %jit3A = arith.constant 1073741824 : i32
    %broadcast_in_dim3A_28 = vector.broadcast %jit3A : i32 to vector<4096x512xi32>
    %select_n3A = arith.select %eq3A_27, %iota3A, %broadcast_in_dim3A_28 : vector<4096x512xi1>, vector<4096x512xi32>
    %reduce_min3A_29 = arith.constant dense<2147483647> : vector<512xi32>
    %reduce_min3A_30 = vector.multi_reduction <minsi>, %select_n3A, %reduce_min3A_29 [0] : vector<4096x512xi32> to vector<512xi32>
    %broadcast_in_dim3A_31 = vector.shape_cast %reduce_min3A_30 : vector<512xi32> to vector<1x512xi32>
    %reshape3A = vector.shape_cast %broadcast_in_dim3A_31 : vector<1x512xi32> to vector<512xi32>
    %swap3A_32 = arith.constant 0 : index
    %swap3A_33 = vector.load %arg6[%swap3A_32] : memref<512xi32, #tpu.memory_space<vmem>>, vector<512xi32>
    tpu.vector_store %arg6[%swap3A_32], %reshape3A {strides = array<i32>} : memref<512xi32, #tpu.memory_space<vmem>>, vector<512xi32>,
    return
  }
  func.func @transform_0(%arg0: i32) -> (i32, i32) {
    %c0_i32 = arith.constant 0 : i32
    %c0_i32_0 = arith.constant 0 : i32
    %c0_i32_1 = arith.constant 0 : i32
    return %c0_i32, %c0_i32_0 : i32, i32
  }
  func.func @transform_1(%arg0: i32) -> (i32, i32) {
    %c0_i32 = arith.constant 0 : i32
    %c0_i32_0 = arith.constant 0 : i32
    %c0_i32_1 = arith.constant 0 : i32
    return %c0_i32, %c0_i32_0 : i32, i32
  }
  func.func @transform_2(%arg0: i32) -> (i32, i32) {
    %c0_i32 = arith.constant 0 : i32
    %c0_i32_0 = arith.constant 0 : i32
    %c0_i32_1 = arith.constant 0 : i32
    return %c0_i32, %c0_i32_0 : i32, i32
  }
  func.func @transform_3(%arg0: i32) -> (i32, i32) {
    %c0_i32 = arith.constant 0 : i32
    %c0_i32_0 = arith.constant 0 : i32
    return %arg0, %c0_i32 : i32, i32
  }
  func.func @transform_4(%arg0: i32) -> (i32, i32) {
    %c0_i32 = arith.constant 0 : i32
    %c0_i32_0 = arith.constant 0 : i32
    return %arg0, %c0_i32 : i32, i32
  }
  func.func @transform_5(%arg0: i32) -> i32 {
    %c0_i32 = arith.constant 0 : i32
    return %arg0 : i32
  }
}

</mosaic_0001>

<sc_bundles>
// kernel: kernel.4.cloned.1.call-start
scs
__scs_entry_jumppad:
0x0: {  	(pc) =	sbr.rel $0x88, $3  }
0x1: {  	(tag) =	ssettag $0x0;
	lr =	simm.s32 $0x1  }
0x2: {  	[smem:$0x3F9E] =	sst lr;
	_ =	strace $0xD0000000  }
0x3: {  	_ = 	snop  }
0x4: {  	_ = 	snop  }
0x5: {  	_ = 	snop  }
0x6: {  	_ = 	snop  }
0x7: {  	_ = 	snop  }
__scs_overlays_trampoline_lowered:
0x8: {  	[smem:$0x3FAD] =	sst s0  }
0x9: {  	[smem:$0x3FAE] =	sst s1  }
0xa: {  	[smem:$0x3FAF] =	sst s2  }
0xb: {  	[smem:$0x3FB0] =	sst s3  }
0xc: {  	[smem:$0x3FB1] =	sst s4  }
0xd: {  	[smem:$0x3FB2] =	sst s5  }
0xe: {  	[smem:$0x3FB3] =	sst s6  }
0xf: {  	[smem:$0x3FB4] =	sst s7  }
0x10: {  	[smem:$0x3FB5] =	sst s8  }
0x11: {  	[smem:$0x3FB6] =	sst s9;
	s0 =	simm.s32 @!p0 $0x0  }
0x12: {  	s1 =	sld [smem:$0x3F9C];
	s0 =	simm.s32 @p0 $0x1  }
0x13: {  	[smem:$0x3FB7] =	sst s0;
	s0 =	simm.s32 @!p1 $0x0  }
0x14: {  	s2 =	sld [smem:$0x3F9B];
	s0 =	simm.s32 @p1 $0x1  }
0x15: {  	[smem:$0x3FB8] =	sst s0;
	s0 =	simm.s32 @!p2 $0x0  }
0x16: {  	s3 =	sld [smem:$0x3FDB];
	s0 =	simm.s32 @p2 $0x1  }
0x17: {  	s4 =	simm.s32 $0x1BF5;
	[smem:$0x3FBA] =	sst s0  }
0x18: {  	s0 =	sld [smem:$0x3F9D];
	_ =	swait.ge [sflag:s4], $0x0  }
0x19: {  	s7 =	sld [smem:$0x3F9E]  }
0x1a: {  	s8 =	sadd.s32 $0xFFFFE003, lr  }
0x1b: {  	s9 =	sadd.s32 $0xFFFFFEF7, lr;
	s5 =	simm.s32 $0xFFFFFFFF;
	p2 =	slt.u32 s8, $0xFFFFF086  }
0x1c: {  	p1 =	slt.u32 s9, $0xF7A;
	s5 =	simm.s32 @!p2 $0x0  }
0x1d: {  	s5 =	simm.s32 @p1 $0x1;
	p0 =	seq.s32 s7, s2  }
0x1e: {  	s7 =	smul.u32 @!p0 $0xF7A, s2;
	p2 =	seq.s32 @!p0 s5, $0x0  }
0x1f: {  	s9 =	smul.u32 $0xF7A, s1;
	s8 =	simm.s32 @!p0 $0x1BF5;
	p2 =	por !p2, p0  }
0x20: {  	[sflag:s8] =	ssyncset.s32 @!p0 $0xFFFFF086;
	s6 =	sadd.s32 @!p0 s3, s7;
	s7 =	simm.s32 @!p0 $0x108  }
0x21: {  	s3 =	sadd.s32 s3, s9;
	s6 =	sadd.s32 @!p0 $0x88, s6;
	s7 =	simm.s32 @p2 $0x1082  }
0x22: {  	[simem:s7], [sflag:s8] =	dma.local @!p0 [hbm:s6], $0xF7A  }
0x23: {  	s9 =	sor.u32 $0xD0000000, s2;
	s6 =	simm.s32 $0x108;
	_ =	swait.ge @!p0 [sflag:s8], $0x0  }
0x24: {  	s3 =	sadd.s32 $0x88, s3;
	s6 =	simm.s32 @!p1 $0x1082;
	[sflag:s4] =	ssyncset.s32 $0xFFFFF086  }
0x25: {  	[simem:s6], [sflag:s4] =	dma.local [hbm:s3], $0xF7A  }
0x26: {  	[smem:$0x3F9E] =	sst s1;
	(tag) =	ssettag s2;
	_ =	strace s9  }
0x27: {  	s1 =	sld [smem:$0x3FAE]  }
0x28: {  	s2 =	sld [smem:$0x3FAF]  }
0x29: {  	s4 =	sld [smem:$0x3FB1]  }
0x2a: {  	p0 =	seq.s32 s5, $0x0;
	s5 =	sld [smem:$0x3FB2]  }
0x2b: {  	s6 =	sld [smem:$0x3FB3]  }
0x2c: {  	s7 =	sld [smem:$0x3FB4]  }
0x2d: {  	s3 =	simm.s32 $0x108;
	s8 =	sld [smem:$0x3FB5]  }
0x2e: {  	s3 =	simm.s32 @!p0 $0x1082;
	s9 =	sld [smem:$0x3FB6]  }
0x2f: {  	lr =	sadd.s32 s0, s3;
	s0 =	sld [smem:$0x3FAD]  }
0x30: {  	s3 =	sld [smem:$0x3FB0]  }
0x31: {  	[smem:$0x3FB9] =	sst s10  }
0x32: {  	s10 =	sld [smem:$0x3FB7];
	_ =	sdelay $0x3  }
0x33: {  	p0 =	seq.s32 s10, $0x1;
	s10 =	sld [smem:$0x3FB9];
	_ =	sdelay $0x3  }
0x34: {  	[smem:$0x3FB9] =	sst s10  }
0x35: {  	s10 =	sld [smem:$0x3FB8];
	_ =	sdelay $0x3  }
0x36: {  	p1 =	seq.s32 s10, $0x1;
	s10 =	sld [smem:$0x3FB9];
	_ =	sdelay $0x3  }
0x37: {  	[smem:$0x3FB9] =	sst s10  }
0x38: {  	s10 =	sld [smem:$0x3FBA]  }
0x39: {  	_ = 	snop;
	(pc) =	sbr.ind lr, $3  }
0x3a: {  	_ = 	snop  }
0x3b: {  	_ = 	snop  }
0x3c: {  	p2 =	seq.s32 s10, $0x1;
	s10 =	sld [smem:$0x3FB9]  }
0x3d: {  	_ =	shalt  }
0x3e: {  	_ =	shalt  }
0x3f: {  	_ =	shalt  }
0x40: {  	_ =	shalt  }
0x41: {  	_ =	shalt  }
0x42: {  	_ =	shalt  }
0x43: {  	_ =	shalt  }
0x44: {  	_ =	shalt  }
0x45: {  	_ =	shalt  }
0x46: {  	_ =	shalt  }
0x47: {  	_ =	shalt  }
0x48: {  	_ =	shalt  }
0x49: {  	_ =	shalt  }
0x4a: {  	_ =	shalt  }
0x4b: {  	_ =	shalt  }
0x4c: {  	_ =	shalt  }
0x4d: {  	_ =	shalt  }
0x4e: {  	_ =	shalt  }
0x4f: {  	_ =	shalt  }
0x50: {  	_ =	shalt  }
0x51: {  	_ =	shalt  }
0x52: {  	_ =	shalt  }
0x53: {  	_ =	shalt  }
0x54: {  	_ =	shalt  }
0x55: {  	_ =	shalt  }
0x56: {  	_ =	shalt  }
0x57: {  	_ =	shalt  }
0x58: {  	_ =	shalt  }
0x59: {  	_ =	shalt  }
0x5a: {  	_ =	shalt  }
0x5b: {  	_ =	shalt  }
0x5c: {  	_ =	shalt  }
0x5d: {  	_ =	shalt  }
0x5e: {  	_ =	shalt  }
0x5f: {  	_ =	shalt  }
0x60: {  	_ =	shalt  }
0x61: {  	_ =	shalt  }
0x62: {  	_ =	shalt  }
0x63: {  	_ =	shalt  }
0x64: {  	_ =	shalt  }
0x65: {  	_ =	shalt  }
0x66: {  	_ =	shalt  }
0x67: {  	_ =	shalt  }
0x68: {  	_ =	shalt  }
0x69: {  	_ =	shalt  }
0x6a: {  	_ =	shalt  }
0x6b: {  	_ =	shalt  }
0x6c: {  	_ =	shalt  }
0x6d: {  	_ =	shalt  }
0x6e: {  	_ =	shalt  }
0x6f: {  	_ =	shalt  }
0x70: {  	_ =	shalt  }
0x71: {  	_ =	shalt  }
0x72: {  	_ =	shalt  }
0x73: {  	_ =	shalt  }
0x74: {  	_ =	shalt  }
0x75: {  	_ =	shalt  }
0x76: {  	_ =	shalt  }
0x77: {  	_ =	shalt  }
0x78: {  	_ =	shalt  }
0x79: {  	_ =	shalt  }
0x7a: {  	_ =	shalt  }
0x7b: {  	_ =	shalt  }
0x7c: {  	_ =	shalt  }
0x7d: {  	_ =	shalt  }
0x7e: {  	_ =	shalt  }
0x7f: {  	_ =	shalt  }
0x80: {  	_ =	shalt  }
0x81: {  	_ =	shalt  }
0x82: {  	_ =	shalt  }
0x83: {  	_ =	shalt  }
0x84: {  	_ =	shalt  }
0x85: {  	_ =	shalt  }
0x86: {  	_ =	shalt  }
0x87: {  	_ =	shalt  }
.Lfunc_end0:
.L_simem_size_0:
called_computation_lowered:
.L_overlay_start_0:
0x88: {  	s2 =	sld [smem:$0x3FD9]  }
0x89: {  	s3 =	sld [smem:$0x3FFE];
	_ =	sdelay $0x1  }
0x8a: {  	s1 =	srdreg.scid  }
0x8b: {  	s0 =	sand.u32 $0x1, s1  }
0x8c: {  	s14 =	sshll.u32 s0, $0xA;
	s2 =	sadd.s32 s3, s2  }
0x8d: {  	s2 =	sadd.s32 s2, s14  }
0x8e: {  	[smem:$0x3FC5] =	sst s2  }
0x8f: {  	_ = 	snop  }
0x90: {  	s2 =	sld [smem:$0x3FD0];
	_ =	sdelay $0x2  }
0x91: {  	s15 =	simm.s32 $0xA;
	s4 =	simm.s32 $0x10  }
0x92: {  	[smem:s4], [sflag:s15] =	dma.local [hbm:s2], $0x1  }
0x93: {  	_ =	swait.eq [sflag:s15], $0x1  }
0x94: {  	[sflag:s15] =	ssyncset.done $0x0  }
0x95: {  	s16 =	sld [smem:$0x10];
	[sflag:s15] =	ssyncadd.s32 $0xFFFFFFFF  }
0x96: {  	s17 =	sld [smem:$0x12];
	(tm) =	ssettm $0x1  }
0x97: {  	s18 =	sld [smem:$0x3FFB];
	_ =	sdelay $0x3  }
0x98: {  	_ =	strace s18  }
0x99: {  	s4 =	sld [smem:$0x3FFC];
	_ =	sdelay $0x3  }
0x9a: {  	_ =	strace s4  }
0x9b: {  	s4 =	sld [smem:$0x3FFD];
	_ =	sdelay $0x3  }
0x9c: {  	_ =	strace s4  }
0x9d: {  	_ =	strace $0x8FFFFFFF  }
0x9e: {  	s19 =	sld [smem:$0x3FDB];
	_ =	sdelay $0x1  }
0x9f: {  	s5 =	simm.s32 $_scs_section_size  }
0xa0: {  	s6 =	simm.s32 $_size__tile_overlayer_lowered;
	s7 =	simm.s32 $_tile_overlayer_lowered  }
0xa1: {  	s22 =	simm.s32 $0x1BFF;
	s21 =	sshll.u32 s7, $0x1;
	s4 =	sadd.s32 s5, s19  }
0xa2: {  	s8 =	simm.s32 $0x0;
	s20 =	sshll.u32 s6, $0x1;
	s6 =	sadd.s32 s21, s4  }
0xa3: {  	[timem:s8], [sflag:s22] =	dma.local [hbm:s6], s20  }
0xa4: {  	_ =	swait.ge [sflag:s22], s20  }
0xa5: {  	s5 =	ssub.s32 $0x0, s20;
	[sflag:s22] =	ssyncset.done $0x0  }
0xa6: {  	[sflag:s22] =	ssyncadd.s32 s5;
	_ =	sdelay $0x1  }
0xa7: {  	s23 =	simm.s32 $0x1B8B  }
0xa8: {  	_ =	swait.ge [sflag:s23], $0x1  }
0xa9: {  	[sflag:s23] =	ssyncset.done $0x0  }
0xaa: {  	s25 =	simm.s32 $0x1B8E;
	s24 =	sld [smem:$0x3FFE];
	[sflag:s23] =	ssyncadd.s32 $0xFFFFFFFF  }
0xab: {  	s26 =	simm.s32 $execute0_lowered;
	[smem:$0x3FD2] =	sst s25  }
0xac: {  	s6 =	sshll.u32 s26, $0x1;
	_ =	strace $0x80000046;
	[dreg:$0x1] =	wrdreg $0xFFFFFFFF  }
0xad: {  	s28 =	simm.s32 $_size_execute0_lowered;
	s4 =	sadd.s32 s4, s6;
	[dreg:$0x0] =	wrdreg $0x0  }
0xae: {  	s6 =	sshll.u32 s28, $0x1;
	[dreg:$0x2] =	wrdreg s4  }
0xaf: {  	[dreg:$0x3] =	wrdreg s6  }
0xb0: {  	[dreg:$0x4] =	wrdreg $0xC0  }
0xb1: {  	_ =	task [dreg:s8], $0x5FFFF  }
0xb2: {  	[dreg:$0x1] =	wrdreg $0xFFFFFFFF  }
0xb3: {  	[dreg:$0x0] =	wrdreg $0x60  }
0xb4: {  	[dreg:$0x2] =	wrdreg s16  }
0xb5: {  	[dreg:$0x3] =	wrdreg s24  }
0xb6: {  	[dreg:$0x4] =	wrdreg s17  }
0xb7: {  	[dreg:$0x5] =	wrdreg $0x9  }
0xb8: {  	_ =	task.clear_ibuf [dreg:s8], $0x6FFFF;
	_ =	strace $0x90000046  }
0xb9: {  	s29 =	simm.s32 $0x9;
	_ =	strace $0x80000048  }
0xba: {  	_ =	swait.ge [sflag:s29], $0x1  }
0xbb: {  	[sflag:s29] =	ssyncadd.s32 $0xFFFFFFFF  }
0xbc: {  	_ =	strace $0x90000048  }
0xbd: {  	_ =	sfence  }
0xbe: {  	s30 =	sld [smem:$0x0];
	_ =	sdelay $0x2  }
0xbf: {  	s31 =	sshll.u32 s1, $0xD;
	s1 =	sshrl.u32 s1, $0x2  }
0xc0: {  	s3 =	sand.u32 $0x4000, s31;
	s1 =	sadd.s32 s1, s30  }
0xc1: {  	s0 =	sor.u32 s3, s0;
	s1 =	sshll.u32 s1, $0x11  }
0xc2: {  	s0 =	sor.u32 s1, s0  }
0xc3: {  	s0 =	sadd.s32 $0x8F2B, s0  }
0xc4: {  	[sflag:s0] =	ssyncadd.remote.s32 $0x1  }
0xc5: {  	_ =	sfence.sel $0xFFFF  }
0xc6: {  	[dreg:$0x0] =	wrdreg $0xFFFFFFFF;
	(pc) =	sbr.abs _section_cstart, $3  }
0xc7: {  	[dreg:$0x1] =	wrdreg $0xFFFFFFFF  }
0xc8: {  	_ =	task.clear_ibuf [dreg:s8], $0x2FFFF;
	_ =	strace $0x9FFFFFFF  }
0xc9: {  	(tm) =	ssettm $0x7FFFFFFF  }
tec
execute0_lowered:
.L_overlay_start_1:
0x0: {  	(tag) =	ssettag $0x1  }
0x1: {  	s2 =	srdreg.scid  }
0x2: {  	s1 =	rddreg [dreg:$0x0];
	s0 =	stileid.u32;
	s6 =	sand.u32 $0x1, s2  }
0x3: {  	s4 =	rddreg [dreg:$0x1];
	s30 =	sshll.u32 s0, $0x8;
	s3 =	sshll.u32 s6, $0x7  }
0x4: {  	s8 =	rddreg [dreg:$0x2];
	s9 =	sor.u32 s3, s30  }
0x5: {  	s2 =	rddreg [dreg:$0x3];
	s3 =	simm.s32 $0x0;
	s5 =	sshrl.u32 s9, $0x3  }
0x6: {  	s10 =	ssub.s32 $0x2, s6;
	[smem:$0x7FF] =	sst s3;
	s4 =	sadd.s32 s5, s4  }
0x7: {  	_ =	strace $0x80000047;
	s5 =	sadd.s32 $0xC00, s4;
	s4 =	simm.s32 $0x2  }
0x8: {  	[tilespmem:s3], [sflag:$0x2] =	stream.linear.gather [hbm4b:s5+s3], $0x80, $0x38;
	[tilespmem:$0x4080] =	vst v63  }
0x9: {  	s11 =	sshrl.u32 s10, $0x1;
	_ =	swait.ge [sflag:s4], $0x80  }
0xa: {  	s7 =	simm.s32 $0x1;
	s10 =	ssub.s32 s10, s11;
	[sflag:s4] =	ssyncset.done $0x0  }
0xb: {  	s6 =	simm.s32 $0x80;
	s31 =	smax.u32 s10, $0x1;
	[sflag:s4] =	ssyncadd.s32 $0xFFFFFF80  }
0xc: {  	[tilespmem:s6], [sflag:$0x1] =	stream.indirect.gather [hbm4b:s1+s6], $0x80, s3, s6, $0xb8;
	[tilespmem:$0x4080] =	vst v63  }
0xd: {  	p0 =	sne.s32 s31, $0x1;
	_ =	swait.ge [sflag:s7], $0x4000  }
.Ltmp0:
0xe: {  	s9 =	sshll.u32 s9, $0x4;
	[sflag:s7] =	ssyncset.done $0x0;
	(pc) =	sbr.rel @!p0 .LBB2_2-.Ltmp0, $4  }
0xf: {  	s8 =	sadd.s32 s8, s9;
	[sflag:s7] =	ssyncadd.s32 $0xFFFFC000  }
0x10: {  	[hbm4b:s8+s3] =	stream.linear.scatter [tilespmem:s6], [sflag:$0x2], $0x4000, $0x38;
	[tilespmem:$0x4080] =	vst v63  }
0x11: {  	_ =	swait.ge [sflag:s4], $0x4000  }
0x12: {  	s9 =	sadd.s32 $0xFFFFFFFF, s31;
	[sflag:s4] =	ssyncset.done $0x0  }
.LBB2_1:
0x13: {  	p0 =	sne.s32 s9, $0x1;
	s9 =	sadd.s32 $0xFFFFFFFF, s9;
	[sflag:s4] =	ssyncadd.s32 $0xFFFFC000  }
0x14: {  	[tilespmem:s3], [sflag:$0x2] =	stream.linear.gather [hbm4b:s5+s3], $0x80, $0x38;
	[tilespmem:$0x4080] =	vst v63  }
0x15: {  	_ =	swait.ge [sflag:s4], $0x80  }
0x16: {  	[sflag:s4] =	ssyncset.done $0x0  }
0x17: {  	[sflag:s4] =	ssyncadd.s32 $0xFFFFFF80  }
0x18: {  	[tilespmem:s6], [sflag:$0x1] =	stream.indirect.gather [hbm4b:s1+s6], $0x80, s3, s6, $0xb8;
	[tilespmem:$0x4080] =	vst v63  }
0x19: {  	_ =	swait.ge [sflag:s7], $0x4000  }
.Ltmp1:
0x1a: {  	[sflag:s7] =	ssyncset.done $0x0;
	(pc) =	sbr.rel @p0 .LBB2_1-.Ltmp1, $4  }
0x1b: {  	[sflag:s7] =	ssyncadd.s32 $0xFFFFC000  }
0x1c: {  	[hbm4b:s8+s3] =	stream.linear.scatter [tilespmem:s6], [sflag:$0x2], $0x4000, $0x38;
	[tilespmem:$0x4080] =	vst v63  }
0x1d: {  	_ =	swait.ge [sflag:s4], $0x4000  }
0x1e: {  	[sflag:s4] =	ssyncset.done $0x0  }
.LBB2_2:
0x1f: {  	[sflag:s4] =	ssyncadd.s32 $0xFFFFC000  }
0x20: {  	_ =	sfence.sel $0x180000  }
0x21: {  	[bflag:$0x0] =	sbarrier.arrive $0xFFFF  }
0x22: {  	p0 =	sne.s32 s0, $0x0;
	_ =	strace $0x90000047  }
0x23: {  	s0 =	sadd.s32 @!p0 $0x100000, s2;
	[bflag:$0x2] =	sbarrier.arrive $0xFFFF  }
0x24: {  	[sflag:s0] =	ssyncadd.tile.s32 @!p0 $0x1;
	_ =	shalt  }
.Lfunc_end2:
_tile_overlayer_lowered:
.L_overlay_start_2:
0x25: {  	(tag) =	ssettag $0x2  }
0x26: {  	s0 =	rddreg [dreg:$0x0];
	s2 =	stileid.u32  }
0x27: {  	s1 =	rddreg [dreg:$0x1];
	p0 =	sne.s32 s2, $0x0  }
0x28: {  	s3 =	rddreg [dreg:$0x2];
	[bflag:$0x3] =	sbarrier.arrive $0xFFFF;
	s2 =	simm.s32 @!p0 $0x1C02  }
0x29: {  	[timem:s3], [sflag:s2] =	dma.local @!p0 [hbm:s0], s1  }
0x2a: {  	s0 =	simm.s32 @!p0 $0x2  }
0x2b: {  	_ =	swait.ge @!p0 [sflag:s0], s1  }
0x2c: {  	s1 =	ssub.s32 @!p0 $0x0, s1;
	[sflag:s0] =	ssyncset.done @!p0 $0x0  }
0x2d: {  	[sflag:s0] =	ssyncadd.s32 @!p0 s1  }
0x2e: {  	[bflag:$0x3] =	sbarrier.arrive $0xFFFF  }
0x2f: {  	_ =	shalt  }

</sc_bundles>
